<compile_context>
chip_gen: v7x
topology: tpu7x:2x2x1
jax: 0.10.2.dev20260603
libtpu: 0.0.44.dev20260713+nightly
codegen_flags: <defaults>
</compile_context>

<pallas_src>
import functools

import jax
import jax.numpy as jnp
from jax import lax
from jax.experimental import pallas as pl
from jax.experimental.pallas import tpu as pltpu
from jax.experimental.pallas import tpu_sc as plsc

NB = 8192
CD = 64
NT = 32768
NBATCH = 32
TT = 1024
SC_CORES = 2
SC_SUBCORES = 16
SC_WORKERS = SC_CORES * SC_SUBCORES
IDX_PER_W = NT // SC_WORKERS


def _bincount_sc_body(idx_hbm, ones_hbm, zeros_hbm, out_hbm,
                      idx_v, ones_v, hist_sh):
    c = lax.axis_index("c")
    s = lax.axis_index("s")
    wid = c * SC_SUBCORES + s
    base = wid * IDX_PER_W
    pltpu.sync_copy(idx_hbm.at[pl.ds(base, IDX_PER_W)], idx_v)
    pltpu.sync_copy(ones_hbm, ones_v)

    @pl.when(s == 0)
    def _():
        pltpu.sync_copy(zeros_hbm, hist_sh)

    plsc.subcore_barrier()
    pltpu.sync_copy(ones_v, hist_sh.at[idx_v], add=True)
    plsc.subcore_barrier()

    @pl.when(s == 0)
    def _():
        pltpu.sync_copy(hist_sh, out_hbm.at[c])


def _bincount_sc(idx, ones, zeros):
    mesh = plsc.VectorSubcoreMesh(core_axis_name="c", subcore_axis_name="s")
    f = functools.partial(
        pl.kernel,
        out_type=jax.ShapeDtypeStruct((SC_CORES, NB), jnp.float32),
        mesh=mesh,
        scratch_types=[
            pltpu.VMEM((IDX_PER_W,), jnp.int32),
            pltpu.VMEM((IDX_PER_W,), jnp.float32),
            pltpu.VMEM_SHARED((NB,), jnp.float32),
        ],
    )(_bincount_sc_body)
    return f(idx, ones, zeros)


def _epilogue_kernel(x_ref, xd_ref, out_ref, commit_ref, acc_ref):
    i = pl.program_id(0)
    xb = x_ref[0]
    xd = xd_ref[0]
    xt = jnp.transpose(xd, (1, 0))
    out_ref[0] = xb + (xt - xb)
    diff = xt - xb

    @pl.when(i == 0)
    def _():
        acc_ref[0] = 0.0

    acc_ref[0] += jnp.sum(diff * diff)

    @pl.when(i == pl.num_programs(0) - 1)
    def _():
        commit_ref[0] = acc_ref[0] / float(NT * CD)


def _epilogue(x, xd3):
    return pl.pallas_call(
        _epilogue_kernel,
        grid=(NBATCH,),
        in_specs=[
            pl.BlockSpec((1, CD, TT), lambda i: (i, 0, 0)),
            pl.BlockSpec((1, TT, CD), lambda i: (i, 0, 0)),
        ],
        out_specs=[
            pl.BlockSpec((1, CD, TT), lambda i: (i, 0, 0)),
            pl.BlockSpec(memory_space=pltpu.SMEM),
        ],
        out_shape=[
            jax.ShapeDtypeStruct((NBATCH, CD, TT), jnp.float32),
            jax.ShapeDtypeStruct((1,), jnp.float32),
        ],
        scratch_shapes=[pltpu.SMEM((1,), jnp.float32)],
    )(x, xd3)


def _perp_kernel(cnt_ref, perp_ref):
    c = cnt_ref[0] + cnt_ref[1]
    prob = c / (jnp.sum(c) + 1e-10)
    perp_ref[0] = jnp.exp(-jnp.sum(prob * jnp.log(prob + 1e-07)))


def _perplexity(counts2):
    return pl.pallas_call(
        _perp_kernel,
        in_specs=[pl.BlockSpec((SC_CORES, NB), lambda: (0, 0))],
        out_specs=pl.BlockSpec(memory_space=pltpu.SMEM),
        out_shape=jax.ShapeDtypeStruct((1,), jnp.float32),
    )(counts2)


def kernel(x, codebook):
    N, C, T = x.shape
    x_flat = jnp.transpose(x, (0, 2, 1)).reshape(N * T, C)
    distances = (
        jnp.sum(x_flat ** 2, axis=-1, keepdims=True)
        - 2.0 * jnp.dot(x_flat, codebook.T)
        + jnp.sum(codebook ** 2, axis=-1)
    )
    code_idx = jnp.argmax(-distances, axis=-1)
    x_d = jnp.take(codebook, code_idx, axis=0, mode="clip")
    ones = jnp.ones((IDX_PER_W,), jnp.float32)
    zeros = jnp.zeros((NB,), jnp.float32)
    counts2 = _bincount_sc(code_idx.astype(jnp.int32), ones, zeros)
    out, commit = _epilogue(x, x_d.reshape(N, T, C))
    perp = _perplexity(counts2)
    return out, commit[0], perp[0]

# --- scband reference (transcript-rebuilt; emitter-appended) ---
"""Pipeline reference for scband-quantize-emareset-42210938585631 (READ-ONLY COPY).

The authoritative reference and input builder live on the scoring server;
editing this copy changes nothing except your own understanding.
"""

import jax, jax.numpy as jnp
import numpy as np

NB_CODE = 8192
CODE_DIM = 64


def setup_inputs(seed: int = 0) -> dict:
    key = jax.random.key(seed)
    k1, k2 = jax.random.split(key)
    x = jax.random.normal(k1, (32, 64, 1024), dtype=jnp.float32)
    codebook = jax.random.normal(k2, (NB_CODE, CODE_DIM), dtype=jnp.float32) * 0.02
    return {"x": x, "codebook": codebook}


def reference(x, codebook):
    # Eval-mode forward of QuantizeEMAReset (init done, no EMA update, temperature=0)
    N, C, T = x.shape
    x_flat = jnp.transpose(x, (0, 2, 1)).reshape(N * T, C)  # (n t) c
    # squared L2 distances to codebook
    distances = (
        jnp.sum(x_flat ** 2, axis=-1, keepdims=True)
        - 2.0 * jnp.dot(x_flat, codebook.T)
        + jnp.sum(codebook ** 2, axis=-1)
    )
    # gumbel_sample with temperature=0 / eval -> plain argmax of -distances
    code_idx = jnp.argmax(-distances, axis=-1)
    # dequantize (gather)
    x_d = jnp.take(codebook, code_idx, axis=0)
    # perplexity (math-equivalent to one_hot sum -> bincount)
    code_count = jnp.bincount(code_idx, length=NB_CODE).astype(jnp.float32)
    prob = code_count / (jnp.sum(code_count) + 1e-10)
    perplexity = jnp.exp(-jnp.sum(prob * jnp.log(prob + 1e-07)))
    commit_loss = jnp.mean((x_flat - jax.lax.stop_gradient(x_d)) ** 2)
    # straight-through estimator
    x_d_st = x_flat + jax.lax.stop_gradient(x_d - x_flat)
    x_d_out = jnp.transpose(x_d_st.reshape(N, T, C), (0, 2, 1))  # n c t
    return (x_d_out, commit_loss, perplexity)

if __name__ == "__main__":
    import jax
    _d = setup_inputs()
    print(jax.jit(kernel)(*tuple(_d.values())))

</pallas_src>

<mosaic_0001>
#map = affine_map<(d0, d1) -> (0)>
#map1 = affine_map<(d0, d1) -> (0, 0)>
module attributes {stable_mosaic.version = 14 : i64} {
  func.func @_bincount_sc_body(%arg0: i32, %arg1: i32, %arg2: memref<32768xi32, #tpu.memory_space<hbm>>, %arg3: memref<1024xf32, #tpu.memory_space<hbm>>, %arg4: memref<8192xf32, #tpu.memory_space<hbm>>, %arg5: memref<2x8192xf32, #tpu.memory_space<hbm>>, %arg6: memref<1024xi32, #tpu.memory_space<vmem>>, %arg7: memref<1024xf32, #tpu.memory_space<vmem>>, %arg8: memref<8192xf32, #tpu.memory_space<vmem_shared>>) attributes {dimension_semantics = [#tpu.dimension_semantics<core_parallel>, #tpu.dimension_semantics<subcore_parallel>], iteration_bounds = array<i64: 2, 16>, scalar_prefetch = 0 : i64, scratch_operands = 3 : i64, tpu.core_type = #tpu.core_type<sc_vector_subcore>, window_params = [{transform_indices = #map}, {transform_indices = #map}, {transform_indices = #map}, {transform_indices = #map1}]} {
    %mul3A = arith.constant 16 : i32
    %mul3A_0 = arith.muli %arg0, %mul3A : i32
    %add3A = arith.addi %mul3A_0, %arg1 : i32
    %mul3A_1 = arith.constant 1024 : i32
    %mul3A_2 = arith.muli %add3A, %mul3A_1 : i32
    "tpu.region"() ({
      %run_scoped3A = tpu.sem_alloc : memref<!tpu.dma_semaphore, #tpu.memory_space<semaphore_mem>>
      %dma_start3A = tpu.memref_slice %arg2[%mul3A_2] : memref<32768xi32, #tpu.memory_space<hbm>> -> memref<1024xi32, #tpu.memory_space<hbm>>
      %dma_start3A_11 = tpu.memref_slice %arg2[%mul3A_2] : memref<32768xi32, #tpu.memory_space<hbm>> -> memref<1024xi32, #tpu.memory_space<hbm>>
      tpu.enqueue_dma source(%dma_start3A_11 : memref<1024xi32, #tpu.memory_space<hbm>>) target(%arg6 : memref<1024xi32, #tpu.memory_space<vmem>>) target_semaphore(%run_scoped3A : memref<!tpu.dma_semaphore, #tpu.memory_space<semaphore_mem>>)
      %dma_wait3A = tpu.memref_slice %arg2[%mul3A_2] : memref<32768xi32, #tpu.memory_space<hbm>> -> memref<1024xi32, #tpu.memory_space<hbm>>
      %dma_wait3A_12 = tpu.memref_slice %arg2[%mul3A_2] : memref<32768xi32, #tpu.memory_space<hbm>> -> memref<1024xi32, #tpu.memory_space<hbm>>
      tpu.wait_dma2 semaphore(%run_scoped3A : memref<!tpu.dma_semaphore, #tpu.memory_space<semaphore_mem>>) src(%dma_wait3A_12 : memref<1024xi32, #tpu.memory_space<hbm>>) dst(%arg6 : memref<1024xi32, #tpu.memory_space<vmem>>)
      tpu.yield
    }) : () -> ()
    "tpu.region"() ({
      %run_scoped3A = tpu.sem_alloc : memref<!tpu.dma_semaphore, #tpu.memory_space<semaphore_mem>>
      tpu.enqueue_dma source(%arg3 : memref<1024xf32, #tpu.memory_space<hbm>>) target(%arg7 : memref<1024xf32, #tpu.memory_space<vmem>>) target_semaphore(%run_scoped3A : memref<!tpu.dma_semaphore, #tpu.memory_space<semaphore_mem>>)
      tpu.wait_dma2 semaphore(%run_scoped3A : memref<!tpu.dma_semaphore, #tpu.memory_space<semaphore_mem>>) src(%arg3 : memref<1024xf32, #tpu.memory_space<hbm>>) dst(%arg7 : memref<1024xf32, #tpu.memory_space<vmem>>)
      tpu.yield
    }) : () -> ()
    %eq3A = arith.constant 0 : i32
    %eq3A_3 = arith.cmpi eq, %arg1, %eq3A : i32
    %convert_element_type3A = arith.extui %eq3A_3 : i1 to i32
    %cond3A = arith.constant 0 : i32
    %cond3A_4 = arith.cmpi ne, %convert_element_type3A, %cond3A : i32
    scf.if %cond3A_4 {
      "tpu.region"() ({
        %run_scoped3A = tpu.sem_alloc : memref<!tpu.dma_semaphore, #tpu.memory_space<semaphore_mem>>
        tpu.enqueue_dma source(%arg4 : memref<8192xf32, #tpu.memory_space<hbm>>) target(%arg8 : memref<8192xf32, #tpu.memory_space<vmem_shared>>) target_semaphore(%run_scoped3A : memref<!tpu.dma_semaphore, #tpu.memory_space<semaphore_mem>>)
        tpu.wait_dma2 semaphore(%run_scoped3A : memref<!tpu.dma_semaphore, #tpu.memory_space<semaphore_mem>>) src(%arg4 : memref<8192xf32, #tpu.memory_space<hbm>>) dst(%arg8 : memref<8192xf32, #tpu.memory_space<vmem_shared>>)
        tpu.yield
      }) : () -> ()
    } else {
    }
    %barrier3A = arith.constant 0 : index
    tpu.barrier barrier_id(%barrier3A)
    "tpu.region"() ({
      %run_scoped3A = tpu.sem_alloc : memref<!tpu.dma_semaphore, #tpu.memory_space<semaphore_mem>>
      %dma_start3A = arith.constant 0 : i32
      %dma_start3A_11 = tpu.memref_slice %arg8[%dma_start3A] : memref<8192xf32, #tpu.memory_space<vmem_shared>> -> memref<8192xf32, #tpu.memory_space<vmem_shared>>
      tpu.enqueue_indirect_dma source(%arg7 : memref<1024xf32, #tpu.memory_space<vmem>>) target(%dma_start3A_11 : memref<8192xf32, #tpu.memory_space<vmem_shared>>) offsets(%arg6 : memref<1024xi32, #tpu.memory_space<vmem>>) semaphore(%run_scoped3A : memref<!tpu.dma_semaphore, #tpu.memory_space<semaphore_mem>>) {add = true}
      %dma_wait3A = arith.constant 0 : i32
      %dma_wait3A_12 = tpu.memref_slice %arg8[%dma_wait3A] : memref<8192xf32, #tpu.memory_space<vmem_shared>> -> memref<8192xf32, #tpu.memory_space<vmem_shared>>
      tpu.wait_indirect_dma semaphore(%run_scoped3A : memref<!tpu.dma_semaphore, #tpu.memory_space<semaphore_mem>>) src(%arg7 : memref<1024xf32, #tpu.memory_space<vmem>>) dst(%dma_wait3A_12 : memref<8192xf32, #tpu.memory_space<vmem_shared>>)
      tpu.yield
    }) : () -> ()
    %barrier3A_5 = arith.constant 0 : index
    tpu.barrier barrier_id(%barrier3A_5)
    %eq3A_6 = arith.constant 0 : i32
    %eq3A_7 = arith.cmpi eq, %arg1, %eq3A_6 : i32
    %convert_element_type3A_8 = arith.extui %eq3A_7 : i1 to i32
    %cond3A_9 = arith.constant 0 : i32
    %cond3A_10 = arith.cmpi ne, %convert_element_type3A_8, %cond3A_9 : i32
    scf.if %cond3A_10 {
      "tpu.region"() ({
        %run_scoped3A = tpu.sem_alloc : memref<!tpu.dma_semaphore, #tpu.memory_space<semaphore_mem>>
        %dma_start3A = arith.constant 0 : i32
        %dma_start3A_11 = tpu.memref_slice %arg5[%arg0, %dma_start3A] : memref<2x8192xf32, #tpu.memory_space<hbm>> -> memref<1x8192xf32, #tpu.memory_space<hbm>>
        %dma_start3A_12 = tpu.memref_squeeze %dma_start3A_11 : memref<1x8192xf32, #tpu.memory_space<hbm>> -> memref<8192xf32, #tpu.memory_space<hbm>>
        tpu.enqueue_dma source(%arg8 : memref<8192xf32, #tpu.memory_space<vmem_shared>>) target(%dma_start3A_12 : memref<8192xf32, #tpu.memory_space<hbm>>) target_semaphore(%run_scoped3A : memref<!tpu.dma_semaphore, #tpu.memory_space<semaphore_mem>>)
        %dma_wait3A = arith.constant 0 : i32
        %dma_wait3A_13 = tpu.memref_slice %arg5[%arg0, %dma_wait3A] : memref<2x8192xf32, #tpu.memory_space<hbm>> -> memref<1x8192xf32, #tpu.memory_space<hbm>>
        %dma_wait3A_14 = tpu.memref_squeeze %dma_wait3A_13 : memref<1x8192xf32, #tpu.memory_space<hbm>> -> memref<8192xf32, #tpu.memory_space<hbm>>
        tpu.wait_dma2 semaphore(%run_scoped3A : memref<!tpu.dma_semaphore, #tpu.memory_space<semaphore_mem>>) src(%arg8 : memref<8192xf32, #tpu.memory_space<vmem_shared>>) dst(%dma_wait3A_14 : memref<8192xf32, #tpu.memory_space<hbm>>)
        tpu.yield
      }) : () -> ()
    } else {
    }
    return
  }
}

module attributes {stable_mosaic.version = 14 : i64} {
  func.func @_epilogue_kernel(%arg0: i32, %arg1: memref<1x64x1024xf32, #tpu.memory_space<vmem>>, %arg2: memref<1x1024x64xf32, #tpu.memory_space<vmem>>, %arg3: memref<1x64x1024xf32, #tpu.memory_space<vmem>>, %arg4: memref<1xf32, #tpu.memory_space<smem>>, %arg5: memref<1xf32, #tpu.memory_space<smem>>) attributes {dimension_semantics = [#tpu.dimension_semantics<arbitrary>], iteration_bounds = array<i64: 32>, scalar_prefetch = 0 : i64, scratch_operands = 1 : i64, tpu.core_type = #tpu.core_type<tc>, window_params = [{transform_indices = @transform_0, window_bounds = array<i64: 1, 64, 1024>}, {transform_indices = @transform_1, window_bounds = array<i64: 1, 1024, 64>}, {transform_indices = @transform_2, window_bounds = array<i64: 1, 64, 1024>}, {transform_indices = @transform_3, window_bounds = array<i64: 1>}]} {
    %get3A = arith.constant 0 : index
    %get3A_0 = arith.constant 0 : index
    %get3A_1 = arith.constant 0 : index
    %get3A_2 = vector.load %arg1[%get3A, %get3A_0, %get3A_1] : memref<1x64x1024xf32, #tpu.memory_space<vmem>>, vector<1x64x1024xf32>
    %get3A_3 = vector.shape_cast %get3A_2 : vector<1x64x1024xf32> to vector<64x1024xf32>
    %get3A_4 = arith.constant 0 : index
    %get3A_5 = arith.constant 0 : index
    %get3A_6 = arith.constant 0 : index
    %get3A_7 = vector.load %arg2[%get3A_4, %get3A_5, %get3A_6] : memref<1x1024x64xf32, #tpu.memory_space<vmem>>, vector<1x1024x64xf32>
    %get3A_8 = vector.shape_cast %get3A_7 : vector<1x1024x64xf32> to vector<1024x64xf32>
    %transpose3A = tpu.transpose %get3A_8, [1, 0] : vector<1024x64xf32> -> vector<64x1024xf32>
    %sub3A = arith.subf %transpose3A, %get3A_3 : vector<64x1024xf32>
    %add3A = arith.addf %get3A_3, %sub3A : vector<64x1024xf32>
    %swap3A = arith.constant 0 : index
    %swap3A_9 = arith.constant 0 : index
    %swap3A_10 = arith.constant 0 : index
    %swap3A_11 = vector.load %arg3[%swap3A, %swap3A_9, %swap3A_10] : memref<1x64x1024xf32, #tpu.memory_space<vmem>>, vector<1x64x1024xf32>
    %swap3A_12 = vector.shape_cast %swap3A_11 : vector<1x64x1024xf32> to vector<64x1024xf32>
    %swap3A_13 = vector.shape_cast %add3A : vector<64x1024xf32> to vector<1x64x1024xf32>
    tpu.vector_store %arg3[%swap3A, %swap3A_9, %swap3A_10], %swap3A_13 {strides = array<i32>} : memref<1x64x1024xf32, #tpu.memory_space<vmem>>, vector<1x64x1024xf32>,
    %sub3A_14 = arith.subf %transpose3A, %get3A_3 : vector<64x1024xf32>
    %eq3A = arith.constant 0 : i32
    %eq3A_15 = arith.cmpi eq, %arg0, %eq3A : i32
    %convert_element_type3A = arith.extui %eq3A_15 : i1 to i32
    %cond3A = arith.constant 0 : i32
    %cond3A_16 = arith.cmpi ne, %convert_element_type3A, %cond3A : i32
    scf.if %cond3A_16 {
      %swap3A_31 = arith.constant 0.000000e+00 : f32
      %swap3A_32 = arith.constant 0 : index
      %swap3A_33 = memref.load %arg5[%swap3A_32] : memref<1xf32, #tpu.memory_space<smem>>
      memref.store %swap3A_31, %arg5[%swap3A_32] : memref<1xf32, #tpu.memory_space<smem>>
    } else {
    }
    %get3A_17 = arith.constant 0 : index
    %get3A_18 = memref.load %arg5[%get3A_17] : memref<1xf32, #tpu.memory_space<smem>>
    %mul3A = arith.mulf %sub3A_14, %sub3A_14 : vector<64x1024xf32>
    %reduce_sum3A = vector.shape_cast %mul3A : vector<64x1024xf32> to vector<1x64x1024xf32>
    %reduce_sum3A_19 = arith.constant dense<0.000000e+00> : vector<1xf32>
    %reduce_sum3A_20 = vector.multi_reduction <add>, %reduce_sum3A, %reduce_sum3A_19 [1, 2] : vector<1x64x1024xf32> to vector<1xf32>
    %reduce_sum3A_21 = vector.shape_cast %reduce_sum3A_20 : vector<1xf32> to vector<1x1x1xf32>
    %reduce_sum3A_22 = vector.extract %reduce_sum3A_21[0, 0, 0] : f32 from vector<1x1x1xf32>
    %add3A_23 = arith.addf %get3A_18, %reduce_sum3A_22 : f32
    %swap3A_24 = arith.constant 0 : index
    %swap3A_25 = memref.load %arg5[%swap3A_24] : memref<1xf32, #tpu.memory_space<smem>>
    memref.store %add3A_23, %arg5[%swap3A_24] : memref<1xf32, #tpu.memory_space<smem>>
    %eq3A_26 = arith.constant 31 : i32
    %eq3A_27 = arith.cmpi eq, %arg0, %eq3A_26 : i32
    %convert_element_type3A_28 = arith.extui %eq3A_27 : i1 to i32
    %cond3A_29 = arith.constant 0 : i32
    %cond3A_30 = arith.cmpi ne, %convert_element_type3A_28, %cond3A_29 : i32
    scf.if %cond3A_30 {
      %get3A_31 = arith.constant 0 : index
      %get3A_32 = memref.load %arg5[%get3A_31] : memref<1xf32, #tpu.memory_space<smem>>
      %div3A = arith.constant 0x4A000000 : f32
      %div3A_33 = arith.divf %get3A_32, %div3A : f32
      %swap3A_34 = arith.constant 0 : index
      %swap3A_35 = memref.load %arg4[%swap3A_34] : memref<1xf32, #tpu.memory_space<smem>>
      memref.store %div3A_33, %arg4[%swap3A_34] : memref<1xf32, #tpu.memory_space<smem>>
    } else {
    }
    return
  }
  func.func @transform_0(%arg0: i32) -> (i32, i32, i32) {
    %c0_i32 = arith.constant 0 : i32
    %c0_i32_0 = arith.constant 0 : i32
    %c0_i32_1 = arith.constant 0 : i32
    return %arg0, %c0_i32, %c0_i32_0 : i32, i32, i32
  }
  func.func @transform_1(%arg0: i32) -> (i32, i32, i32) {
    %c0_i32 = arith.constant 0 : i32
    %c0_i32_0 = arith.constant 0 : i32
    %c0_i32_1 = arith.constant 0 : i32
    return %arg0, %c0_i32, %c0_i32_0 : i32, i32, i32
  }
  func.func @transform_2(%arg0: i32) -> (i32, i32, i32) {
    %c0_i32 = arith.constant 0 : i32
    %c0_i32_0 = arith.constant 0 : i32
    %c0_i32_1 = arith.constant 0 : i32
    return %arg0, %c0_i32, %c0_i32_0 : i32, i32, i32
  }
  func.func @transform_3(%arg0: i32) -> i32 {
    %c0_i32 = arith.constant 0 : i32
    %c0_i32_0 = arith.constant 0 : i32
    return %c0_i32 : i32
  }
}

module attributes {stable_mosaic.version = 14 : i64} {
  func.func @_perp_kernel(%arg0: memref<2x8192xf32, #tpu.memory_space<vmem>>, %arg1: memref<1xf32, #tpu.memory_space<smem>>) attributes {dimension_semantics = [], scalar_prefetch = 0 : i64, scratch_operands = 0 : i64, tpu.core_type = #tpu.core_type<tc>} {
    %get3A = arith.constant 0 : index
    %get3A_0 = arith.constant 0 : index
    %get3A_1 = vector.load %arg0[%get3A, %get3A_0] : memref<2x8192xf32, #tpu.memory_space<vmem>>, vector<1x8192xf32>
    %get3A_2 = vector.shape_cast %get3A_1 : vector<1x8192xf32> to vector<8192xf32>
    %get3A_3 = arith.constant 1 : index
    %get3A_4 = arith.constant 0 : index
    %get3A_5 = vector.load %arg0[%get3A_3, %get3A_4] : memref<2x8192xf32, #tpu.memory_space<vmem>>, vector<1x8192xf32>
    %get3A_6 = vector.shape_cast %get3A_5 : vector<1x8192xf32> to vector<8192xf32>
    %add3A = arith.addf %get3A_2, %get3A_6 : vector<8192xf32>
    %reduce_sum3A = vector.shape_cast %add3A : vector<8192xf32> to vector<1x8192xf32>
    %reduce_sum3A_7 = arith.constant dense<0.000000e+00> : vector<1xf32>
    %reduce_sum3A_8 = vector.multi_reduction <add>, %reduce_sum3A, %reduce_sum3A_7 [1] : vector<1x8192xf32> to vector<1xf32>
    %reduce_sum3A_9 = vector.shape_cast %reduce_sum3A_8 : vector<1xf32> to vector<1x1xf32>
    %reduce_sum3A_10 = vector.extract %reduce_sum3A_9[0, 0] : f32 from vector<1x1xf32>
    %add3A_11 = arith.constant 1.000000e-10 : f32
    %add3A_12 = arith.addf %reduce_sum3A_10, %add3A_11 : f32
    %div3A = vector.broadcast %add3A_12 : f32 to vector<8192xf32>
    %div3A_13 = arith.divf %add3A, %div3A : vector<8192xf32>
    %add3A_14 = arith.constant 1.000000e-07 : f32
    %add3A_15 = vector.broadcast %add3A_14 : f32 to vector<8192xf32>
    %add3A_16 = arith.addf %div3A_13, %add3A_15 : vector<8192xf32>
    %log3A = math.log %add3A_16 : vector<8192xf32>
    %mul3A = arith.mulf %div3A_13, %log3A : vector<8192xf32>
    %reduce_sum3A_17 = vector.shape_cast %mul3A : vector<8192xf32> to vector<1x8192xf32>
    %reduce_sum3A_18 = arith.constant dense<0.000000e+00> : vector<1xf32>
    %reduce_sum3A_19 = vector.multi_reduction <add>, %reduce_sum3A_17, %reduce_sum3A_18 [1] : vector<1x8192xf32> to vector<1xf32>
    %reduce_sum3A_20 = vector.shape_cast %reduce_sum3A_19 : vector<1xf32> to vector<1x1xf32>
    %reduce_sum3A_21 = vector.extract %reduce_sum3A_20[0, 0] : f32 from vector<1x1xf32>
    %neg3A = arith.constant 0.000000e+00 : f32
    %neg3A_22 = arith.subf %neg3A, %reduce_sum3A_21 : f32
    %exp3A = math.exp %neg3A_22 : f32
    %swap3A = arith.constant 0 : index
    %swap3A_23 = memref.load %arg1[%swap3A] : memref<1xf32, #tpu.memory_space<smem>>
    memref.store %exp3A, %arg1[%swap3A] : memref<1xf32, #tpu.memory_space<smem>>
    return
  }
}

</mosaic_0001>

<sc_bundles>
// kernel: kernel.5.cloned.1.call-start
scs
__scs_entry_jumppad:
0x0: {  	(pc) =	sbr.rel $0x88, $3  }
0x1: {  	(tag) =	ssettag $0x0;
	lr =	simm.s32 $0x1  }
0x2: {  	[smem:$0x3F9F] =	sst lr;
	_ =	strace $0xD0000000  }
0x3: {  	_ = 	snop  }
0x4: {  	_ = 	snop  }
0x5: {  	_ = 	snop  }
0x6: {  	_ = 	snop  }
0x7: {  	_ = 	snop  }
__scs_overlays_trampoline_lowered:
0x8: {  	[smem:$0x3FAE] =	sst s0  }
0x9: {  	[smem:$0x3FAF] =	sst s1  }
0xa: {  	[smem:$0x3FB0] =	sst s2  }
0xb: {  	[smem:$0x3FB1] =	sst s3  }
0xc: {  	[smem:$0x3FB2] =	sst s4  }
0xd: {  	[smem:$0x3FB3] =	sst s5  }
0xe: {  	[smem:$0x3FB4] =	sst s6  }
0xf: {  	[smem:$0x3FB5] =	sst s7  }
0x10: {  	[smem:$0x3FB6] =	sst s8  }
0x11: {  	[smem:$0x3FB7] =	sst s9;
	s0 =	simm.s32 @!p0 $0x0  }
0x12: {  	s1 =	sld [smem:$0x3F9D];
	s0 =	simm.s32 @p0 $0x1  }
0x13: {  	[smem:$0x3FB8] =	sst s0;
	s0 =	simm.s32 @!p1 $0x0  }
0x14: {  	s2 =	sld [smem:$0x3F9C];
	s0 =	simm.s32 @p1 $0x1  }
0x15: {  	[smem:$0x3FB9] =	sst s0;
	s0 =	simm.s32 @!p2 $0x0  }
0x16: {  	s3 =	sld [smem:$0x3FDB];
	s0 =	simm.s32 @p2 $0x1  }
0x17: {  	s4 =	simm.s32 $0x1BF5;
	[smem:$0x3FBB] =	sst s0  }
0x18: {  	s0 =	sld [smem:$0x3F9E];
	_ =	swait.ge [sflag:s4], $0x0  }
0x19: {  	s7 =	sld [smem:$0x3F9F]  }
0x1a: {  	s8 =	sadd.s32 $0xFFFFE003, lr  }
0x1b: {  	s9 =	sadd.s32 $0xFFFFFEF7, lr;
	s5 =	simm.s32 $0xFFFFFFFF;
	p2 =	slt.u32 s8, $0xFFFFF086  }
0x1c: {  	p1 =	slt.u32 s9, $0xF7A;
	s5 =	simm.s32 @!p2 $0x0  }
0x1d: {  	s5 =	simm.s32 @p1 $0x1;
	p0 =	seq.s32 s7, s2  }
0x1e: {  	s7 =	smul.u32 @!p0 $0xF7A, s2;
	p2 =	seq.s32 @!p0 s5, $0x0  }
0x1f: {  	s9 =	smul.u32 $0xF7A, s1;
	s8 =	simm.s32 @!p0 $0x1BF5;
	p2 =	por !p2, p0  }
0x20: {  	[sflag:s8] =	ssyncset.s32 @!p0 $0xFFFFF086;
	s6 =	sadd.s32 @!p0 s3, s7;
	s7 =	simm.s32 @!p0 $0x108  }
0x21: {  	s3 =	sadd.s32 s3, s9;
	s6 =	sadd.s32 @!p0 $0x88, s6;
	s7 =	simm.s32 @p2 $0x1082  }
0x22: {  	[simem:s7], [sflag:s8] =	dma.local @!p0 [hbm:s6], $0xF7A  }
0x23: {  	s9 =	sor.u32 $0xD0000000, s2;
	s6 =	simm.s32 $0x108;
	_ =	swait.ge @!p0 [sflag:s8], $0x0  }
0x24: {  	s3 =	sadd.s32 $0x88, s3;
	s6 =	simm.s32 @!p1 $0x1082;
	[sflag:s4] =	ssyncset.s32 $0xFFFFF086  }
0x25: {  	[simem:s6], [sflag:s4] =	dma.local [hbm:s3], $0xF7A  }
0x26: {  	[smem:$0x3F9F] =	sst s1;
	(tag) =	ssettag s2;
	_ =	strace s9  }
0x27: {  	s1 =	sld [smem:$0x3FAF]  }
0x28: {  	s2 =	sld [smem:$0x3FB0]  }
0x29: {  	s4 =	sld [smem:$0x3FB2]  }
0x2a: {  	p0 =	seq.s32 s5, $0x0;
	s5 =	sld [smem:$0x3FB3]  }
0x2b: {  	s6 =	sld [smem:$0x3FB4]  }
0x2c: {  	s7 =	sld [smem:$0x3FB5]  }
0x2d: {  	s3 =	simm.s32 $0x108;
	s8 =	sld [smem:$0x3FB6]  }
0x2e: {  	s3 =	simm.s32 @!p0 $0x1082;
	s9 =	sld [smem:$0x3FB7]  }
0x2f: {  	lr =	sadd.s32 s0, s3;
	s0 =	sld [smem:$0x3FAE]  }
0x30: {  	s3 =	sld [smem:$0x3FB1]  }
0x31: {  	[smem:$0x3FBA] =	sst s10  }
0x32: {  	s10 =	sld [smem:$0x3FB8];
	_ =	sdelay $0x3  }
0x33: {  	p0 =	seq.s32 s10, $0x1;
	s10 =	sld [smem:$0x3FBA];
	_ =	sdelay $0x3  }
0x34: {  	[smem:$0x3FBA] =	sst s10  }
0x35: {  	s10 =	sld [smem:$0x3FB9];
	_ =	sdelay $0x3  }
0x36: {  	p1 =	seq.s32 s10, $0x1;
	s10 =	sld [smem:$0x3FBA];
	_ =	sdelay $0x3  }
0x37: {  	[smem:$0x3FBA] =	sst s10  }
0x38: {  	s10 =	sld [smem:$0x3FBB]  }
0x39: {  	_ = 	snop;
	(pc) =	sbr.ind lr, $3  }
0x3a: {  	_ = 	snop  }
0x3b: {  	_ = 	snop  }
0x3c: {  	p2 =	seq.s32 s10, $0x1;
	s10 =	sld [smem:$0x3FBA]  }
0x3d: {  	_ =	shalt  }
0x3e: {  	_ =	shalt  }
0x3f: {  	_ =	shalt  }
0x40: {  	_ =	shalt  }
0x41: {  	_ =	shalt  }
0x42: {  	_ =	shalt  }
0x43: {  	_ =	shalt  }
0x44: {  	_ =	shalt  }
0x45: {  	_ =	shalt  }
0x46: {  	_ =	shalt  }
0x47: {  	_ =	shalt  }
0x48: {  	_ =	shalt  }
0x49: {  	_ =	shalt  }
0x4a: {  	_ =	shalt  }
0x4b: {  	_ =	shalt  }
0x4c: {  	_ =	shalt  }
0x4d: {  	_ =	shalt  }
0x4e: {  	_ =	shalt  }
0x4f: {  	_ =	shalt  }
0x50: {  	_ =	shalt  }
0x51: {  	_ =	shalt  }
0x52: {  	_ =	shalt  }
0x53: {  	_ =	shalt  }
0x54: {  	_ =	shalt  }
0x55: {  	_ =	shalt  }
0x56: {  	_ =	shalt  }
0x57: {  	_ =	shalt  }
0x58: {  	_ =	shalt  }
0x59: {  	_ =	shalt  }
0x5a: {  	_ =	shalt  }
0x5b: {  	_ =	shalt  }
0x5c: {  	_ =	shalt  }
0x5d: {  	_ =	shalt  }
0x5e: {  	_ =	shalt  }
0x5f: {  	_ =	shalt  }
0x60: {  	_ =	shalt  }
0x61: {  	_ =	shalt  }
0x62: {  	_ =	shalt  }
0x63: {  	_ =	shalt  }
0x64: {  	_ =	shalt  }
0x65: {  	_ =	shalt  }
0x66: {  	_ =	shalt  }
0x67: {  	_ =	shalt  }
0x68: {  	_ =	shalt  }
0x69: {  	_ =	shalt  }
0x6a: {  	_ =	shalt  }
0x6b: {  	_ =	shalt  }
0x6c: {  	_ =	shalt  }
0x6d: {  	_ =	shalt  }
0x6e: {  	_ =	shalt  }
0x6f: {  	_ =	shalt  }
0x70: {  	_ =	shalt  }
0x71: {  	_ =	shalt  }
0x72: {  	_ =	shalt  }
0x73: {  	_ =	shalt  }
0x74: {  	_ =	shalt  }
0x75: {  	_ =	shalt  }
0x76: {  	_ =	shalt  }
0x77: {  	_ =	shalt  }
0x78: {  	_ =	shalt  }
0x79: {  	_ =	shalt  }
0x7a: {  	_ =	shalt  }
0x7b: {  	_ =	shalt  }
0x7c: {  	_ =	shalt  }
0x7d: {  	_ =	shalt  }
0x7e: {  	_ =	shalt  }
0x7f: {  	_ =	shalt  }
0x80: {  	_ =	shalt  }
0x81: {  	_ =	shalt  }
0x82: {  	_ =	shalt  }
0x83: {  	_ =	shalt  }
0x84: {  	_ =	shalt  }
0x85: {  	_ =	shalt  }
0x86: {  	_ =	shalt  }
0x87: {  	_ =	shalt  }
.Lfunc_end0:
.L_simem_size_0:
called_computation_lowered:
.L_overlay_start_0:
0x88: {  	s2 =	sld [smem:$0x3FD9]  }
0x89: {  	s3 =	sld [smem:$0x3FFE];
	_ =	sdelay $0x1  }
0x8a: {  	s1 =	srdreg.scid  }
0x8b: {  	s0 =	sand.u32 $0x1, s1  }
0x8c: {  	s16 =	sshll.u32 s0, $0xA;
	s2 =	sadd.s32 s3, s2  }
0x8d: {  	s2 =	sadd.s32 s2, s16  }
0x8e: {  	[smem:$0x3FC6] =	sst s2  }
0x8f: {  	_ = 	snop  }
0x90: {  	(tm) =	ssettm $0x1  }
0x91: {  	s17 =	sld [smem:$0x3FFB];
	_ =	sdelay $0x3  }
0x92: {  	_ =	strace s17  }
0x93: {  	s2 =	sld [smem:$0x3FFC];
	_ =	sdelay $0x3  }
0x94: {  	_ =	strace s2  }
0x95: {  	s2 =	sld [smem:$0x3FFD];
	_ =	sdelay $0x3  }
0x96: {  	_ =	strace s2  }
0x97: {  	_ =	strace $0x8FFFFFFF  }
0x98: {  	s18 =	sld [smem:$0x3FDB];
	_ =	sdelay $0x1  }
0x99: {  	s19 =	simm.s32 $_scs_section_size  }
0x9a: {  	s4 =	simm.s32 $_size__tile_overlayer_lowered;
	s5 =	simm.s32 $_tile_overlayer_lowered  }
0x9b: {  	s22 =	simm.s32 $0x1BFF;
	s21 =	sshll.u32 s5, $0x1;
	s2 =	sadd.s32 s19, s18  }
0x9c: {  	s6 =	simm.s32 $0x0;
	s20 =	sshll.u32 s4, $0x1;
	s4 =	sadd.s32 s21, s2  }
0x9d: {  	[timem:s6], [sflag:s22] =	dma.local [hbm:s4], s20  }
0x9e: {  	_ =	swait.ge [sflag:s22], s20  }
0x9f: {  	s3 =	ssub.s32 $0x0, s20;
	[sflag:s22] =	ssyncset.done $0x0  }
0xa0: {  	[sflag:s22] =	ssyncadd.s32 s3;
	_ =	sdelay $0x1  }
0xa1: {  	s23 =	simm.s32 $0x1B8B  }
0xa2: {  	_ =	swait.ge [sflag:s23], $0x1  }
0xa3: {  	[sflag:s23] =	ssyncset.done $0x0  }
0xa4: {  	s25 =	simm.s32 $0x1B8E;
	s24 =	sld [smem:$0x3FFE];
	[sflag:s23] =	ssyncadd.s32 $0xFFFFFFFF  }
0xa5: {  	s26 =	simm.s32 $execute0_lowered;
	[smem:$0x3FD2] =	sst s25  }
0xa6: {  	s4 =	sshll.u32 s26, $0x1;
	_ =	strace $0x80000046;
	[dreg:$0x1] =	wrdreg $0xFFFFFFFF  }
0xa7: {  	s28 =	simm.s32 $_size_execute0_lowered;
	s2 =	sadd.s32 s2, s4;
	[dreg:$0x0] =	wrdreg $0x0  }
0xa8: {  	s4 =	sshll.u32 s28, $0x1;
	[dreg:$0x2] =	wrdreg s2  }
0xa9: {  	[dreg:$0x3] =	wrdreg s4  }
0xaa: {  	[dreg:$0x4] =	wrdreg $0xC0  }
0xab: {  	_ =	task [dreg:s6], $0x5FFFF  }
0xac: {  	[dreg:$0x1] =	wrdreg $0xFFFFFFFF  }
0xad: {  	[dreg:$0x0] =	wrdreg $0x60  }
0xae: {  	[dreg:$0x2] =	wrdreg s24  }
0xaf: {  	[dreg:$0x3] =	wrdreg $0x8000  }
0xb0: {  	[dreg:$0x4] =	wrdreg $0x9  }
0xb1: {  	_ =	task.clear_ibuf [dreg:s6], $0x5FFFF;
	_ =	strace $0x90000046  }
0xb2: {  	s29 =	simm.s32 $0x9;
	_ =	strace $0x80000048  }
0xb3: {  	_ =	swait.ge [sflag:s29], $0x1  }
0xb4: {  	[sflag:s29] =	ssyncadd.s32 $0xFFFFFFFF  }
0xb5: {  	_ =	strace $0x90000048  }
0xb6: {  	_ =	sfence  }
0xb7: {  	s30 =	sld [smem:$0x0];
	_ =	sdelay $0x2  }
0xb8: {  	s31 =	sshll.u32 s1, $0xD;
	s1 =	sshrl.u32 s1, $0x2  }
0xb9: {  	s3 =	sand.u32 $0x4000, s31;
	s1 =	sadd.s32 s1, s30  }
0xba: {  	s0 =	sor.u32 s3, s0;
	s1 =	sshll.u32 s1, $0x11  }
0xbb: {  	s0 =	sor.u32 s1, s0  }
0xbc: {  	s0 =	sadd.s32 $0x8F2B, s0  }
0xbd: {  	[sflag:s0] =	ssyncadd.remote.s32 $0x1  }
0xbe: {  	_ =	sfence.sel $0xFFFF  }
0xbf: {  	[dreg:$0x0] =	wrdreg $0xFFFFFFFF;
	(pc) =	sbr.abs _section_cstart, $3  }
0xc0: {  	[dreg:$0x1] =	wrdreg $0xFFFFFFFF  }
0xc1: {  	_ =	task.clear_ibuf [dreg:s6], $0x2FFFF;
	_ =	strace $0x9FFFFFFF  }
0xc2: {  	(tm) =	ssettm $0x7FFFFFFF  }
0xc3: {  	_ =	shalt  }
tec
execute0_lowered:
.L_overlay_start_1:
0x0: {  	(tag) =	ssettag $0x1  }
0x1: {  	s16 =	rddreg [dreg:$0x0]  }
0x2: {  	s1 =	rddreg [dreg:$0x1]  }
0x3: {  	s0 =	rddreg [dreg:$0x2]  }
0x4: {  	s3 =	srdreg.scid;
	s7 =	stileid.u32  }
0x5: {  	s2 =	simm.s32 $0x0;
	s17 =	sand.u32 $0x1, s3;
	s30 =	sshll.u32 s7, $0x7  }
0x6: {  	[smem:$0x7FF] =	sst s2;
	s4 =	sshll.u32 s17, $0xB;
	s3 =	sadd.s32 s16, s30  }
0x7: {  	_ =	strace $0x80000047;
	s3 =	sadd.s32 s4, s3;
	s4 =	simm.s32 $0x1  }
0x8: {  	[tilespmem:s2], [sflag:$0x1] =	stream.linear.gather [hbm4b:s3+s2], $0x400, $0x38;
	[tilespmem:$0xA00] =	vst v63  }
0x9: {  	_ =	swait.ge [sflag:s4], $0x400  }
0xa: {  	[sflag:s4] =	ssyncset.done $0x0  }
0xb: {  	s6 =	simm.s32 $0x400;
	s5 =	sadd.s32 $0x1000, s16;
	[sflag:s4] =	ssyncadd.s32 $0xFFFFFC00  }
0xc: {  	[tilespmem:s6], [sflag:$0x1] =	stream.linear.gather [hbm4b:s5+s2], $0x400, $0x38;
	[tilespmem:$0xA00] =	vst v63  }
0xd: {  	_ =	swait.ge [sflag:s4], $0x400  }
0xe: {  	p0 =	sne.s32 s7, $0x0;
	[sflag:s4] =	ssyncset.done $0x0  }
0xf: {  	s7 =	simm.s32 @p0 $0x1;
	[sflag:s4] =	ssyncadd.s32 $0xFFFFFC00  }
0x10: {  	s8 =	simm.s32 @p0 $0x0;
	s9 =	simm.s32 @p0 $0x400;
	[bflag:$0x0] =	sbarrier.arrive @p0 $0xFFFF  }
0x11: {  	[spmem:s1] =	stream.indirect.scatter.add.f32 @p0 [tilespmem:s9], [sflag:$0x1], $0x1, s8, s9, $0xb8;
	[tilespmem:$0xA00] =	vst v63  }
0x12: {  	_ =	swait.ge @p0 [sflag:s7], $0x400  }
0x13: {  	[sflag:s7] =	ssyncset.done @p0 $0x0  }
0x14: {  	s10 =	sadd.s32 $0x1200, s16;
	s12 =	sshrl.u32 @!p0 s1, $0x3;
	[sflag:s7] =	ssyncadd.s32 @p0 $0xFFFFFC00  }
0x15: {  	s13 =	simm.s32 @!p0 $0x1C01;
	s11 =	simm.s32 @!p0 $0x1;
	[bflag:$0x0] =	sbarrier.arrive @p0 $0xFFFF  }
0x16: {  	[spmem:s12], [sflag:s13] =	dma.local @!p0 [hbm:s10], $0x400  }
0x17: {  	s18 =	ssub.s32 $0x2, s17;
	_ =	swait.ge @!p0 [sflag:s11], $0x400  }
0x18: {  	s14 =	simm.s32 @!p0 $0x0;
	s19 =	sshrl.u32 s18, $0x1;
	[sflag:s11] =	ssyncset.done @!p0 $0x0  }
0x19: {  	s15 =	simm.s32 @!p0 $0x400;
	s18 =	ssub.s32 s18, s19;
	[sflag:s11] =	ssyncadd.s32 @!p0 $0xFFFFFC00  }
0x1a: {  	s17 =	sshll.u32 s17, $0x4;
	s31 =	smax.u32 s18, $0x1;
	[bflag:$0x0] =	sbarrier.arrive @!p0 $0xFFFF  }
0x1b: {  	[spmem:s1] =	stream.indirect.scatter.add.f32 @!p0 [tilespmem:s15], [sflag:$0x1], $0x1, s14, s15, $0xb8;
	[tilespmem:$0xA00] =	vst v63  }
0x1c: {  	s16 =	sadd.s32 s17, s16;
	s17 =	sadd.s32 $0xFFFFFFFF, s31;
	_ =	swait.ge @!p0 [sflag:s11], $0x400  }
0x1d: {  	p1 =	sne.s32 s17, $0x0;
	[sflag:s11] =	ssyncset.done @!p0 $0x0  }
.Ltmp0:
0x1e: {  	s16 =	sadd.s32 $0x1600, s16;
	[sflag:s11] =	ssyncadd.s32 @!p0 $0xFFFFFC00;
	(pc) =	sbr.rel @!p1 .LBB2_2-.Ltmp0, $4  }
0x1f: {  	s19 =	simm.s32 @!p0 $0x10;
	s18 =	simm.s32 @!p0 $0x20;
	[bflag:$0x0] =	sbarrier.arrive @!p0 $0xFFFF  }
0x20: {  	[hbm:s16@s18], [sflag:s13] =	dma.strided @!p0 [spmem:s12@s19], $0x400, s11, $0x10   }
0x21: {  	_ =	swait.ge @!p0 [sflag:s11], $0x400  }
0x22: {  	[sflag:s11] =	ssyncset.done @!p0 $0x0  }
.LBB2_1:
0x23: {  	s17 =	sadd.s32 $0xFFFFFFFF, s17;
	[sflag:s11] =	ssyncadd.s32 @!p0 $0xFFFFFC00  }
0x24: {  	[tilespmem:s2], [sflag:$0x1] =	stream.linear.gather [hbm4b:s3+s2], $0x400, $0x38;
	[tilespmem:$0xA00] =	vst v63  }
0x25: {  	p1 =	sne.s32 s17, $0x0;
	_ =	swait.ge [sflag:s4], $0x400  }
0x26: {  	[sflag:s4] =	ssyncset.done $0x0  }
0x27: {  	[sflag:s4] =	ssyncadd.s32 $0xFFFFFC00  }
0x28: {  	[tilespmem:s6], [sflag:$0x1] =	stream.linear.gather [hbm4b:s5+s2], $0x400, $0x38;
	[tilespmem:$0xA00] =	vst v63  }
0x29: {  	_ =	swait.ge [sflag:s4], $0x400  }
0x2a: {  	[sflag:s4] =	ssyncset.done $0x0  }
0x2b: {  	[sflag:s4] =	ssyncadd.s32 $0xFFFFFC00  }
0x2c: {  	[bflag:$0x0] =	sbarrier.arrive @p0 $0xFFFF  }
0x2d: {  	[spmem:s1] =	stream.indirect.scatter.add.f32 @p0 [tilespmem:s9], [sflag:$0x1], $0x1, s8, s9, $0xb8;
	[tilespmem:$0xA00] =	vst v63  }
0x2e: {  	_ =	swait.ge @p0 [sflag:s7], $0x400  }
0x2f: {  	[sflag:s7] =	ssyncset.done @p0 $0x0  }
0x30: {  	[sflag:s7] =	ssyncadd.s32 @p0 $0xFFFFFC00  }
0x31: {  	[bflag:$0x0] =	sbarrier.arrive @p0 $0xFFFF  }
0x32: {  	[spmem:s12], [sflag:s13] =	dma.local @!p0 [hbm:s10], $0x400  }
0x33: {  	_ =	swait.ge @!p0 [sflag:s11], $0x400  }
0x34: {  	[sflag:s11] =	ssyncset.done @!p0 $0x0  }
0x35: {  	[sflag:s11] =	ssyncadd.s32 @!p0 $0xFFFFFC00  }
0x36: {  	[bflag:$0x0] =	sbarrier.arrive @!p0 $0xFFFF  }
0x37: {  	[spmem:s1] =	stream.indirect.scatter.add.f32 @!p0 [tilespmem:s15], [sflag:$0x1], $0x1, s14, s15, $0xb8;
	[tilespmem:$0xA00] =	vst v63  }
0x38: {  	_ =	swait.ge @!p0 [sflag:s11], $0x400  }
0x39: {  	[sflag:s11] =	ssyncset.done @!p0 $0x0  }
.Ltmp1:
0x3a: {  	[sflag:s11] =	ssyncadd.s32 @!p0 $0xFFFFFC00;
	(pc) =	sbr.rel @p1 .LBB2_1-.Ltmp1, $4  }
0x3b: {  	[bflag:$0x0] =	sbarrier.arrive @!p0 $0xFFFF  }
0x3c: {  	[hbm:s16@s18], [sflag:s13] =	dma.strided @!p0 [spmem:s12@s19], $0x400, s11, $0x10   }
0x3d: {  	_ =	swait.ge @!p0 [sflag:s11], $0x400  }
0x3e: {  	[sflag:s11] =	ssyncset.done @!p0 $0x0  }
.LBB2_2:
0x3f: {  	[sflag:s11] =	ssyncadd.s32 @!p0 $0xFFFFFC00  }
0x40: {  	_ =	sfence.sel $0x180000  }
0x41: {  	[bflag:$0x0] =	sbarrier.arrive $0xFFFF  }
0x42: {  	_ =	strace $0x90000047  }
0x43: {  	s0 =	sadd.s32 @!p0 $0x100000, s0;
	[bflag:$0x2] =	sbarrier.arrive $0xFFFF  }
0x44: {  	[sflag:s0] =	ssyncadd.tile.s32 @!p0 $0x1;
	_ =	shalt  }
.Lfunc_end2:
_tile_overlayer_lowered:
.L_overlay_start_2:
0x45: {  	(tag) =	ssettag $0x2  }
0x46: {  	s0 =	rddreg [dreg:$0x0];
	s2 =	stileid.u32  }
0x47: {  	s1 =	rddreg [dreg:$0x1];
	p0 =	sne.s32 s2, $0x0  }
0x48: {  	s3 =	rddreg [dreg:$0x2];
	[bflag:$0x3] =	sbarrier.arrive $0xFFFF;
	s2 =	simm.s32 @!p0 $0x1C01  }
0x49: {  	[timem:s3], [sflag:s2] =	dma.local @!p0 [hbm:s0], s1  }
0x4a: {  	s0 =	simm.s32 @!p0 $0x1  }
0x4b: {  	_ =	swait.ge @!p0 [sflag:s0], s1  }
0x4c: {  	s1 =	ssub.s32 @!p0 $0x0, s1;
	[sflag:s0] =	ssyncset.done @!p0 $0x0  }
0x4d: {  	[sflag:s0] =	ssyncadd.s32 @!p0 s1  }
0x4e: {  	[bflag:$0x3] =	sbarrier.arrive $0xFFFF  }
0x4f: {  	_ =	shalt  }

</sc_bundles>
